<compile_context>
chip_gen: v7x
topology: tpu7x:2x2x1
jax: 0.10.2.dev20260603
libtpu: 0.0.44.dev20260713+nightly
codegen_flags: <defaults>
</compile_context>

<pallas_src>
import functools

import jax
import jax.numpy as jnp
from jax import lax
from jax.experimental import pallas as pl
from jax.experimental.pallas import tpu as pltpu
from jax.experimental.pallas import tpu_sc as plsc

_GRID = 2


def _feats_body(x_ref, s_ref, cond_ref, t_ref, w_ref, wct_ref, of_ref):
    condm = jnp.mean(cond_ref[...], axis=0, keepdims=True)
    cvt = lax.dot_general(wct_ref[...], condm,
                          (((1,), (1,)), ((), ())),
                          preferred_element_type=jnp.float32)
    tt = t_ref[0, 0]
    xw = lax.dot_general(w_ref[...], x_ref[...],
                         (((0,), (0,)), ((), ())),
                         preferred_element_type=jnp.float32)
    sw = lax.dot_general(w_ref[...], s_ref[...],
                         (((0,), (0,)), ((), ())),
                         preferred_element_type=jnp.float32)
    of_ref[...] = xw * tt + cvt + jnp.tanh(sw)


def _coords_copy(n_elems):
    mesh = plsc.VectorSubcoreMesh(core_axis_name="c", subcore_axis_name="s")
    info = plsc.get_sparse_core_info()
    nw = info.num_cores * info.num_subcores
    chunk = n_elems // nw

    @functools.partial(
        pl.kernel, mesh=mesh,
        out_type=jax.ShapeDtypeStruct((n_elems,), jnp.int32),
    )
    def copy_k(src_hbm, out_hbm):
        wid = lax.axis_index("s") * info.num_cores + lax.axis_index("c")
        base = wid * chunk
        pltpu.sync_copy(src_hbm.at[pl.ds(base, chunk)],
                        out_hbm.at[pl.ds(base, chunk)])

    return copy_k


def kernel(x_t_feats, x_t_coords, tex_feats, tex_coords, shape_feats,
           shape_coords, t, cond, coords_len_list, W, Wc):
    T, D = x_t_feats.shape
    dc = x_t_coords.shape[1]
    B, DCOND = cond.shape

    xT = x_t_feats.T
    sT = shape_feats.T
    wcT = Wc.T
    t2 = t.reshape(1, 1)
    blk = T // _GRID

    ofT = pl.pallas_call(
        _feats_body,
        grid=(_GRID,),
        in_specs=[
            pl.BlockSpec((D, blk), lambda i: (0, i)),
            pl.BlockSpec((D, blk), lambda i: (0, i)),
            pl.BlockSpec((B, DCOND), lambda i: (0, 0)),
            pl.BlockSpec((1, 1), lambda i: (0, 0)),
            pl.BlockSpec((D, D), lambda i: (0, 0)),
            pl.BlockSpec((D, DCOND), lambda i: (0, 0)),
        ],
        out_specs=pl.BlockSpec((D, blk), lambda i: (0, i)),
        out_shape=jax.ShapeDtypeStruct((D, T), jnp.float32),
        compiler_params=pltpu.CompilerParams(
            dimension_semantics=("arbitrary",)),
    )(xT, sT, cond, t2, W, wcT)

    cflat = x_t_coords.T.reshape(T * dc)
    ocT = _coords_copy(T * dc)(cflat).reshape(dc, T)
    return ofT.T, ocT.T

# --- scband reference (transcript-rebuilt; emitter-appended) ---
"""Pipeline reference for scband-gen3-dseg-85787676770902 (READ-ONLY COPY).

The authoritative reference and input builder live on the scoring server;
editing this copy changes nothing except your own understanding.
"""

import jax, jax.numpy as jnp
import numpy as np

T, D, B, DCOND = 32768, 16, 16, 1024


def setup_inputs(seed: int = 0) -> dict:
    key = jax.random.key(seed)
    ks = jax.random.split(key, 10)
    x_t_feats = jax.random.normal(ks[0], (T, D), dtype=jnp.float32)
    x_t_coords = jax.random.randint(ks[1], (T, 4), 0, 64, dtype=jnp.int32)
    tex_feats = jax.random.normal(ks[2], (T, D), dtype=jnp.float32)
    tex_coords = jax.random.randint(ks[3], (T, 4), 0, 64, dtype=jnp.int32)
    shape_feats = jax.random.normal(ks[4], (T, D), dtype=jnp.float32)
    shape_coords = jax.random.randint(ks[5], (T, 4), 0, 64, dtype=jnp.int32)
    t = jax.random.uniform(ks[6], (1,), dtype=jnp.float32)
    cond = jax.random.normal(ks[7], (B, DCOND), dtype=jnp.float32)
    coords_len_list = np.full((B,), T // B, dtype=np.int64)
    W = jax.random.normal(ks[8], (D, D), dtype=jnp.float32) * 0.1
    Wc = jax.random.normal(ks[9], (DCOND, D), dtype=jnp.float32) * 0.02
    return {"x_t_feats": x_t_feats, "x_t_coords": x_t_coords, "tex_feats": tex_feats,
            "tex_coords": tex_coords, "shape_feats": shape_feats, "shape_coords": shape_coords,
            "t": t, "cond": cond, "coords_len_list": coords_len_list, "W": W, "Wc": Wc}


def _flow_model(in_feats, in_coords, t, cond, sh_feats, sh_coords, W, Wc):
    # stand-in flow model: token-wise linear, timestep scaling, global cond bias,
    # and shape-slat conditioning (coords pass through unchanged)
    cond_vec = jnp.mean(cond, axis=0) @ Wc
    h = (in_feats @ W) * t[0] + cond_vec[None, :]
    h = h + jnp.tanh(sh_feats @ W)
    return h, in_coords


def reference(x_t_feats, x_t_coords, tex_feats, tex_coords, shape_feats, shape_coords,
              t, cond, coords_len_list, W, Wc):
    nb = coords_len_list.shape[0]
    L = x_t_feats.shape[0] // nb
    df = x_t_feats.shape[1]
    dc = x_t_coords.shape[1]
    in_f = jnp.stack([x_t_feats.reshape(nb, L, df),
                      tex_feats.reshape(nb, L, df)], axis=1).reshape(2 * nb * L, df)
    in_c = jnp.stack([x_t_coords.reshape(nb, L, dc),
                      tex_coords.reshape(nb, L, dc)], axis=1).reshape(2 * nb * L, dc)
    sh_blk_f = shape_feats.reshape(nb, L, df)
    sh_blk_c = shape_coords.reshape(nb, L, dc)
    sh_f = jnp.stack([sh_blk_f, sh_blk_f], axis=1).reshape(2 * nb * L, df)
    sh_c = jnp.stack([sh_blk_c, sh_blk_c], axis=1).reshape(2 * nb * L, dc)
    out_f, out_c = _flow_model(in_f, in_c, t, cond, sh_f, sh_c, W, Wc)
    of = out_f.reshape(nb, 2, L, df)[:, 0].reshape(nb * L, df)
    oc = out_c.reshape(nb, 2, L, dc)[:, 0].reshape(nb * L, dc)
    return of, oc

if __name__ == "__main__":
    import jax
    _d = setup_inputs()
    print(jax.jit(kernel)(*tuple(_d.values())))

</pallas_src>

<mosaic_0001>
#map = affine_map<(d0, d1) -> (0)>
module attributes {stable_mosaic.version = 14 : i64} {
  func.func @copy_k(%arg0: i32, %arg1: i32, %arg2: memref<131072xi32, #tpu.memory_space<hbm>>, %arg3: memref<131072xi32, #tpu.memory_space<hbm>>) attributes {dimension_semantics = [#tpu.dimension_semantics<core_parallel>, #tpu.dimension_semantics<subcore_parallel>], iteration_bounds = array<i64: 2, 16>, scalar_prefetch = 0 : i64, scratch_operands = 0 : i64, tpu.core_type = #tpu.core_type<sc_vector_subcore>, window_params = [{transform_indices = #map}, {transform_indices = #map}]} {
    %mul3A = arith.constant 2 : i32
    %mul3A_0 = arith.muli %arg1, %mul3A : i32
    %add3A = arith.addi %mul3A_0, %arg0 : i32
    %mul3A_1 = arith.constant 4096 : i32
    %mul3A_2 = arith.muli %add3A, %mul3A_1 : i32
    "tpu.region"() ({
      %run_scoped3A = tpu.sem_alloc : memref<!tpu.dma_semaphore, #tpu.memory_space<semaphore_mem>>
      %dma_start3A = tpu.memref_slice %arg3[%mul3A_2] : memref<131072xi32, #tpu.memory_space<hbm>> -> memref<4096xi32, #tpu.memory_space<hbm>>
      %dma_start3A_3 = tpu.memref_slice %arg2[%mul3A_2] : memref<131072xi32, #tpu.memory_space<hbm>> -> memref<4096xi32, #tpu.memory_space<hbm>>
      tpu.enqueue_dma source(%dma_start3A_3 : memref<4096xi32, #tpu.memory_space<hbm>>) target(%dma_start3A : memref<4096xi32, #tpu.memory_space<hbm>>) target_semaphore(%run_scoped3A : memref<!tpu.dma_semaphore, #tpu.memory_space<semaphore_mem>>)
      %dma_wait3A = tpu.memref_slice %arg3[%mul3A_2] : memref<131072xi32, #tpu.memory_space<hbm>> -> memref<4096xi32, #tpu.memory_space<hbm>>
      %dma_wait3A_4 = tpu.memref_slice %arg2[%mul3A_2] : memref<131072xi32, #tpu.memory_space<hbm>> -> memref<4096xi32, #tpu.memory_space<hbm>>
      tpu.wait_dma2 semaphore(%run_scoped3A : memref<!tpu.dma_semaphore, #tpu.memory_space<semaphore_mem>>) src(%dma_wait3A_4 : memref<4096xi32, #tpu.memory_space<hbm>>) dst(%dma_wait3A : memref<4096xi32, #tpu.memory_space<hbm>>)
      tpu.yield
    }) : () -> ()
    return
  }
}

module attributes {stable_mosaic.version = 14 : i64} {
  func.func @_feats_body(%arg0: i32, %arg1: memref<16x16384xf32, #tpu.memory_space<vmem>>, %arg2: memref<16x16384xf32, #tpu.memory_space<vmem>>, %arg3: memref<16x1024xf32, #tpu.memory_space<vmem>>, %arg4: memref<1x1xf32, #tpu.memory_space<vmem>>, %arg5: memref<16x16xf32, #tpu.memory_space<vmem>>, %arg6: memref<16x1024xf32, #tpu.memory_space<vmem>>, %arg7: memref<16x16384xf32, #tpu.memory_space<vmem>>) attributes {dimension_semantics = [#tpu.dimension_semantics<arbitrary>], iteration_bounds = array<i64: 2>, scalar_prefetch = 0 : i64, scratch_operands = 0 : i64, tpu.core_type = #tpu.core_type<tc>, window_params = [{transform_indices = @transform_0, window_bounds = array<i64: 16, 16384>}, {transform_indices = @transform_1, window_bounds = array<i64: 16, 16384>}, {pipeline_mode = #tpu.pipeline_mode<synchronous>, transform_indices = @transform_2, window_bounds = array<i64: 16, 1024>}, {pipeline_mode = #tpu.pipeline_mode<synchronous>, transform_indices = @transform_3, window_bounds = array<i64: 1, 1>}, {pipeline_mode = #tpu.pipeline_mode<synchronous>, transform_indices = @transform_4, window_bounds = array<i64: 16, 16>}, {pipeline_mode = #tpu.pipeline_mode<synchronous>, transform_indices = @transform_5, window_bounds = array<i64: 16, 1024>}, {transform_indices = @transform_6, window_bounds = array<i64: 16, 16384>}]} {
    %get3A = arith.constant 0 : index
    %get3A_0 = arith.constant 0 : index
    %get3A_1 = vector.load %arg3[%get3A, %get3A_0] : memref<16x1024xf32, #tpu.memory_space<vmem>>, vector<16x1024xf32>
    %reduce_sum3A = arith.constant dense<0.000000e+00> : vector<1024xf32>
    %reduce_sum3A_2 = vector.multi_reduction <add>, %get3A_1, %reduce_sum3A [0] : vector<16x1024xf32> to vector<1024xf32>
    %broadcast_in_dim3A = vector.shape_cast %reduce_sum3A_2 : vector<1024xf32> to vector<1x1024xf32>
    %div3A = arith.constant 1.600000e+01 : f32
    %div3A_3 = vector.broadcast %div3A : f32 to vector<1x1024xf32>
    %div3A_4 = arith.divf %broadcast_in_dim3A, %div3A_3 : vector<1x1024xf32>
    %get3A_5 = arith.constant 0 : index
    %get3A_6 = arith.constant 0 : index
    %get3A_7 = vector.load %arg6[%get3A_5, %get3A_6] : memref<16x1024xf32, #tpu.memory_space<vmem>>, vector<16x1024xf32>
    %dot_general3A = arith.constant dense<0.000000e+00> : vector<16x1xf32>
    %dot_general3A_8 = tpu.matmul %get3A_7, %div3A_4, %dot_general3A {dimension_numbers = #tpu.dot_dimension_numbers<[1], [1], [0], [0], [0, 0, 1, 0], [], []>, transpose_lhs_hint = false} : vector<16x1024xf32>, vector<1x1024xf32>, vector<16x1xf32> -> vector<16x1xf32>
    %get3A_9 = arith.constant 0 : index
    %get3A_10 = arith.constant 0 : index
    %get3A_11 = vector.load %arg4[%get3A_9, %get3A_10] : memref<1x1xf32, #tpu.memory_space<vmem>>, vector<1x1xf32>
    %get3A_12 = vector.extract %get3A_11[0, 0] : f32 from vector<1x1xf32>
    %get3A_13 = arith.constant 0 : index
    %get3A_14 = arith.constant 0 : index
    %get3A_15 = vector.load %arg5[%get3A_13, %get3A_14] : memref<16x16xf32, #tpu.memory_space<vmem>>, vector<16x16xf32>
    %get3A_16 = arith.constant 0 : index
    %get3A_17 = arith.constant 0 : index
    %get3A_18 = vector.load %arg1[%get3A_16, %get3A_17] : memref<16x16384xf32, #tpu.memory_space<vmem>>, vector<16x16384xf32>
    %dot_general3A_19 = arith.constant dense<0.000000e+00> : vector<16x16384xf32>
    %dot_general3A_20 = tpu.matmul %get3A_15, %get3A_18, %dot_general3A_19 {dimension_numbers = #tpu.dot_dimension_numbers<[0], [0], [1], [1], [0, 1, 1, 1], [], []>, transpose_lhs_hint = false} : vector<16x16xf32>, vector<16x16384xf32>, vector<16x16384xf32> -> vector<16x16384xf32>
    %get3A_21 = arith.constant 0 : index
    %get3A_22 = arith.constant 0 : index
    %get3A_23 = vector.load %arg5[%get3A_21, %get3A_22] : memref<16x16xf32, #tpu.memory_space<vmem>>, vector<16x16xf32>
    %get3A_24 = arith.constant 0 : index
    %get3A_25 = arith.constant 0 : index
    %get3A_26 = vector.load %arg2[%get3A_24, %get3A_25] : memref<16x16384xf32, #tpu.memory_space<vmem>>, vector<16x16384xf32>
    %dot_general3A_27 = arith.constant dense<0.000000e+00> : vector<16x16384xf32>
    %dot_general3A_28 = tpu.matmul %get3A_23, %get3A_26, %dot_general3A_27 {dimension_numbers = #tpu.dot_dimension_numbers<[0], [0], [1], [1], [0, 1, 1, 1], [], []>, transpose_lhs_hint = false} : vector<16x16xf32>, vector<16x16384xf32>, vector<16x16384xf32> -> vector<16x16384xf32>
    %mul3A = vector.broadcast %get3A_12 : f32 to vector<16x16384xf32>
    %mul3A_29 = arith.mulf %dot_general3A_20, %mul3A : vector<16x16384xf32>
    %add3A = vector.broadcast %dot_general3A_8 : vector<16x1xf32> to vector<16x16384xf32>
    %add3A_30 = arith.addf %mul3A_29, %add3A : vector<16x16384xf32>
    %tanh3A = math.tanh %dot_general3A_28 : vector<16x16384xf32>
    %add3A_31 = arith.addf %add3A_30, %tanh3A : vector<16x16384xf32>
    %swap3A = arith.constant 0 : index
    %swap3A_32 = arith.constant 0 : index
    %swap3A_33 = vector.load %arg7[%swap3A, %swap3A_32] : memref<16x16384xf32, #tpu.memory_space<vmem>>, vector<16x16384xf32>
    tpu.vector_store %arg7[%swap3A, %swap3A_32], %add3A_31 {strides = array<i32>} : memref<16x16384xf32, #tpu.memory_space<vmem>>, vector<16x16384xf32>,
    return
  }
  func.func @transform_0(%arg0: i32) -> (i32, i32) {
    %c0_i32 = arith.constant 0 : i32
    %c0_i32_0 = arith.constant 0 : i32
    return %c0_i32, %arg0 : i32, i32
  }
  func.func @transform_1(%arg0: i32) -> (i32, i32) {
    %c0_i32 = arith.constant 0 : i32
    %c0_i32_0 = arith.constant 0 : i32
    return %c0_i32, %arg0 : i32, i32
  }
  func.func @transform_2(%arg0: i32) -> (i32, i32) {
    %c0_i32 = arith.constant 0 : i32
    %c0_i32_0 = arith.constant 0 : i32
    %c0_i32_1 = arith.constant 0 : i32
    return %c0_i32, %c0_i32_0 : i32, i32
  }
  func.func @transform_3(%arg0: i32) -> (i32, i32) {
    %c0_i32 = arith.constant 0 : i32
    %c0_i32_0 = arith.constant 0 : i32
    %c0_i32_1 = arith.constant 0 : i32
    return %c0_i32, %c0_i32_0 : i32, i32
  }
  func.func @transform_4(%arg0: i32) -> (i32, i32) {
    %c0_i32 = arith.constant 0 : i32
    %c0_i32_0 = arith.constant 0 : i32
    %c0_i32_1 = arith.constant 0 : i32
    return %c0_i32, %c0_i32_0 : i32, i32
  }
  func.func @transform_5(%arg0: i32) -> (i32, i32) {
    %c0_i32 = arith.constant 0 : i32
    %c0_i32_0 = arith.constant 0 : i32
    %c0_i32_1 = arith.constant 0 : i32
    return %c0_i32, %c0_i32_0 : i32, i32
  }
  func.func @transform_6(%arg0: i32) -> (i32, i32) {
    %c0_i32 = arith.constant 0 : i32
    %c0_i32_0 = arith.constant 0 : i32
    return %c0_i32, %arg0 : i32, i32
  }
}

</mosaic_0001>

<sc_bundles>
// kernel: kernel.4.cloned.1.call-start
scs
__scs_entry_jumppad:
0x0: {  	(pc) =	sbr.rel $0x88, $3  }
0x1: {  	(tag) =	ssettag $0x0;
	lr =	simm.s32 $0x1  }
0x2: {  	[smem:$0x3F9A] =	sst lr;
	_ =	strace $0xD0000000  }
0x3: {  	_ = 	snop  }
0x4: {  	_ = 	snop  }
0x5: {  	_ = 	snop  }
0x6: {  	_ = 	snop  }
0x7: {  	_ = 	snop  }
__scs_overlays_trampoline_lowered:
0x8: {  	[smem:$0x3FA9] =	sst s0  }
0x9: {  	[smem:$0x3FAA] =	sst s1  }
0xa: {  	[smem:$0x3FAB] =	sst s2  }
0xb: {  	[smem:$0x3FAC] =	sst s3  }
0xc: {  	[smem:$0x3FAD] =	sst s4  }
0xd: {  	[smem:$0x3FAE] =	sst s5  }
0xe: {  	[smem:$0x3FAF] =	sst s6  }
0xf: {  	[smem:$0x3FB0] =	sst s7  }
0x10: {  	[smem:$0x3FB1] =	sst s8  }
0x11: {  	[smem:$0x3FB2] =	sst s9;
	s0 =	simm.s32 @!p0 $0x0  }
0x12: {  	s1 =	sld [smem:$0x3F98];
	s0 =	simm.s32 @p0 $0x1  }
0x13: {  	[smem:$0x3FB3] =	sst s0;
	s0 =	simm.s32 @!p1 $0x0  }
0x14: {  	s2 =	sld [smem:$0x3F97];
	s0 =	simm.s32 @p1 $0x1  }
0x15: {  	[smem:$0x3FB4] =	sst s0;
	s0 =	simm.s32 @!p2 $0x0  }
0x16: {  	s3 =	sld [smem:$0x3FDB];
	s0 =	simm.s32 @p2 $0x1  }
0x17: {  	s4 =	simm.s32 $0x1BF5;
	[smem:$0x3FB6] =	sst s0  }
0x18: {  	s0 =	sld [smem:$0x3F99];
	_ =	swait.ge [sflag:s4], $0x0  }
0x19: {  	s7 =	sld [smem:$0x3F9A]  }
0x1a: {  	s8 =	sadd.s32 $0xFFFFE003, lr  }
0x1b: {  	s9 =	sadd.s32 $0xFFFFFEF7, lr;
	s5 =	simm.s32 $0xFFFFFFFF;
	p2 =	slt.u32 s8, $0xFFFFF086  }
0x1c: {  	p1 =	slt.u32 s9, $0xF7A;
	s5 =	simm.s32 @!p2 $0x0  }
0x1d: {  	s5 =	simm.s32 @p1 $0x1;
	p0 =	seq.s32 s7, s2  }
0x1e: {  	s7 =	smul.u32 @!p0 $0xF7A, s2;
	p2 =	seq.s32 @!p0 s5, $0x0  }
0x1f: {  	s9 =	smul.u32 $0xF7A, s1;
	s8 =	simm.s32 @!p0 $0x1BF5;
	p2 =	por !p2, p0  }
0x20: {  	[sflag:s8] =	ssyncset.s32 @!p0 $0xFFFFF086;
	s6 =	sadd.s32 @!p0 s3, s7;
	s7 =	simm.s32 @!p0 $0x108  }
0x21: {  	s3 =	sadd.s32 s3, s9;
	s6 =	sadd.s32 @!p0 $0x88, s6;
	s7 =	simm.s32 @p2 $0x1082  }
0x22: {  	[simem:s7], [sflag:s8] =	dma.local @!p0 [hbm:s6], $0xF7A  }
0x23: {  	s9 =	sor.u32 $0xD0000000, s2;
	s6 =	simm.s32 $0x108;
	_ =	swait.ge @!p0 [sflag:s8], $0x0  }
0x24: {  	s3 =	sadd.s32 $0x88, s3;
	s6 =	simm.s32 @!p1 $0x1082;
	[sflag:s4] =	ssyncset.s32 $0xFFFFF086  }
0x25: {  	[simem:s6], [sflag:s4] =	dma.local [hbm:s3], $0xF7A  }
0x26: {  	[smem:$0x3F9A] =	sst s1;
	(tag) =	ssettag s2;
	_ =	strace s9  }
0x27: {  	s1 =	sld [smem:$0x3FAA]  }
0x28: {  	s2 =	sld [smem:$0x3FAB]  }
0x29: {  	s4 =	sld [smem:$0x3FAD]  }
0x2a: {  	p0 =	seq.s32 s5, $0x0;
	s5 =	sld [smem:$0x3FAE]  }
0x2b: {  	s6 =	sld [smem:$0x3FAF]  }
0x2c: {  	s7 =	sld [smem:$0x3FB0]  }
0x2d: {  	s3 =	simm.s32 $0x108;
	s8 =	sld [smem:$0x3FB1]  }
0x2e: {  	s3 =	simm.s32 @!p0 $0x1082;
	s9 =	sld [smem:$0x3FB2]  }
0x2f: {  	lr =	sadd.s32 s0, s3;
	s0 =	sld [smem:$0x3FA9]  }
0x30: {  	s3 =	sld [smem:$0x3FAC]  }
0x31: {  	[smem:$0x3FB5] =	sst s10  }
0x32: {  	s10 =	sld [smem:$0x3FB3];
	_ =	sdelay $0x3  }
0x33: {  	p0 =	seq.s32 s10, $0x1;
	s10 =	sld [smem:$0x3FB5];
	_ =	sdelay $0x3  }
0x34: {  	[smem:$0x3FB5] =	sst s10  }
0x35: {  	s10 =	sld [smem:$0x3FB4];
	_ =	sdelay $0x3  }
0x36: {  	p1 =	seq.s32 s10, $0x1;
	s10 =	sld [smem:$0x3FB5];
	_ =	sdelay $0x3  }
0x37: {  	[smem:$0x3FB5] =	sst s10  }
0x38: {  	s10 =	sld [smem:$0x3FB6]  }
0x39: {  	_ = 	snop;
	(pc) =	sbr.ind lr, $3  }
0x3a: {  	_ = 	snop  }
0x3b: {  	_ = 	snop  }
0x3c: {  	p2 =	seq.s32 s10, $0x1;
	s10 =	sld [smem:$0x3FB5]  }
0x3d: {  	_ =	shalt  }
0x3e: {  	_ =	shalt  }
0x3f: {  	_ =	shalt  }
0x40: {  	_ =	shalt  }
0x41: {  	_ =	shalt  }
0x42: {  	_ =	shalt  }
0x43: {  	_ =	shalt  }
0x44: {  	_ =	shalt  }
0x45: {  	_ =	shalt  }
0x46: {  	_ =	shalt  }
0x47: {  	_ =	shalt  }
0x48: {  	_ =	shalt  }
0x49: {  	_ =	shalt  }
0x4a: {  	_ =	shalt  }
0x4b: {  	_ =	shalt  }
0x4c: {  	_ =	shalt  }
0x4d: {  	_ =	shalt  }
0x4e: {  	_ =	shalt  }
0x4f: {  	_ =	shalt  }
0x50: {  	_ =	shalt  }
0x51: {  	_ =	shalt  }
0x52: {  	_ =	shalt  }
0x53: {  	_ =	shalt  }
0x54: {  	_ =	shalt  }
0x55: {  	_ =	shalt  }
0x56: {  	_ =	shalt  }
0x57: {  	_ =	shalt  }
0x58: {  	_ =	shalt  }
0x59: {  	_ =	shalt  }
0x5a: {  	_ =	shalt  }
0x5b: {  	_ =	shalt  }
0x5c: {  	_ =	shalt  }
0x5d: {  	_ =	shalt  }
0x5e: {  	_ =	shalt  }
0x5f: {  	_ =	shalt  }
0x60: {  	_ =	shalt  }
0x61: {  	_ =	shalt  }
0x62: {  	_ =	shalt  }
0x63: {  	_ =	shalt  }
0x64: {  	_ =	shalt  }
0x65: {  	_ =	shalt  }
0x66: {  	_ =	shalt  }
0x67: {  	_ =	shalt  }
0x68: {  	_ =	shalt  }
0x69: {  	_ =	shalt  }
0x6a: {  	_ =	shalt  }
0x6b: {  	_ =	shalt  }
0x6c: {  	_ =	shalt  }
0x6d: {  	_ =	shalt  }
0x6e: {  	_ =	shalt  }
0x6f: {  	_ =	shalt  }
0x70: {  	_ =	shalt  }
0x71: {  	_ =	shalt  }
0x72: {  	_ =	shalt  }
0x73: {  	_ =	shalt  }
0x74: {  	_ =	shalt  }
0x75: {  	_ =	shalt  }
0x76: {  	_ =	shalt  }
0x77: {  	_ =	shalt  }
0x78: {  	_ =	shalt  }
0x79: {  	_ =	shalt  }
0x7a: {  	_ =	shalt  }
0x7b: {  	_ =	shalt  }
0x7c: {  	_ =	shalt  }
0x7d: {  	_ =	shalt  }
0x7e: {  	_ =	shalt  }
0x7f: {  	_ =	shalt  }
0x80: {  	_ =	shalt  }
0x81: {  	_ =	shalt  }
0x82: {  	_ =	shalt  }
0x83: {  	_ =	shalt  }
0x84: {  	_ =	shalt  }
0x85: {  	_ =	shalt  }
0x86: {  	_ =	shalt  }
0x87: {  	_ =	shalt  }
.Lfunc_end0:
.L_simem_size_0:
called_computation_lowered:
.L_overlay_start_0:
0x88: {  	s2 =	sld [smem:$0x3FD9]  }
0x89: {  	s3 =	sld [smem:$0x3FFE];
	_ =	sdelay $0x1  }
0x8a: {  	s1 =	srdreg.scid  }
0x8b: {  	s0 =	sand.u32 $0x1, s1  }
0x8c: {  	s14 =	sshll.u32 s0, $0xA;
	s2 =	sadd.s32 s3, s2  }
0x8d: {  	s2 =	sadd.s32 s2, s14  }
0x8e: {  	[smem:$0x3FC1] =	sst s2  }
0x8f: {  	_ = 	snop  }
0x90: {  	s2 =	sld [smem:$0x3FD0];
	_ =	sdelay $0x2  }
0x91: {  	s15 =	simm.s32 $0xA;
	s4 =	simm.s32 $0x10  }
0x92: {  	[smem:s4], [sflag:s15] =	dma.local [hbm:s2], $0x1  }
0x93: {  	_ =	swait.eq [sflag:s15], $0x1  }
0x94: {  	[sflag:s15] =	ssyncset.done $0x0  }
0x95: {  	[sflag:s15] =	ssyncadd.s32 $0xFFFFFFFF  }
0x96: {  	s16 =	sld [smem:$0x11];
	(tm) =	ssettm $0x1  }
0x97: {  	s17 =	sld [smem:$0x3FFB];
	_ =	sdelay $0x3  }
0x98: {  	_ =	strace s17  }
0x99: {  	s3 =	sld [smem:$0x3FFC];
	_ =	sdelay $0x3  }
0x9a: {  	_ =	strace s3  }
0x9b: {  	s3 =	sld [smem:$0x3FFD];
	_ =	sdelay $0x3  }
0x9c: {  	_ =	strace s3  }
0x9d: {  	_ =	strace $0x8FFFFFFF  }
0x9e: {  	s18 =	sld [smem:$0x3FDB];
	_ =	sdelay $0x1  }
0x9f: {  	s19 =	simm.s32 $_scs_section_size  }
0xa0: {  	s5 =	simm.s32 $_size__tile_overlayer_lowered;
	s6 =	simm.s32 $_tile_overlayer_lowered  }
0xa1: {  	s22 =	simm.s32 $0x1BFF;
	s21 =	sshll.u32 s6, $0x1;
	s3 =	sadd.s32 s19, s18  }
0xa2: {  	s7 =	simm.s32 $0x0;
	s20 =	sshll.u32 s5, $0x1;
	s5 =	sadd.s32 s21, s3  }
0xa3: {  	[timem:s7], [sflag:s22] =	dma.local [hbm:s5], s20  }
0xa4: {  	_ =	swait.ge [sflag:s22], s20  }
0xa5: {  	s4 =	ssub.s32 $0x0, s20;
	[sflag:s22] =	ssyncset.done $0x0  }
0xa6: {  	[sflag:s22] =	ssyncadd.s32 s4;
	_ =	sdelay $0x1  }
0xa7: {  	s23 =	simm.s32 $0x1B8B  }
0xa8: {  	_ =	swait.ge [sflag:s23], $0x1  }
0xa9: {  	[sflag:s23] =	ssyncset.done $0x0  }
0xaa: {  	s25 =	simm.s32 $0x1B8E;
	s24 =	sld [smem:$0x3FFE];
	[sflag:s23] =	ssyncadd.s32 $0xFFFFFFFF  }
0xab: {  	s26 =	simm.s32 $execute0_lowered;
	[smem:$0x3FD2] =	sst s25  }
0xac: {  	s5 =	sshll.u32 s26, $0x1;
	_ =	strace $0x80000046;
	[dreg:$0x1] =	wrdreg $0xFFFFFFFF  }
0xad: {  	s28 =	simm.s32 $_size_execute0_lowered;
	s3 =	sadd.s32 s3, s5;
	[dreg:$0x0] =	wrdreg $0x0  }
0xae: {  	s5 =	sshll.u32 s28, $0x1;
	[dreg:$0x2] =	wrdreg s3  }
0xaf: {  	[dreg:$0x3] =	wrdreg s5  }
0xb0: {  	[dreg:$0x4] =	wrdreg $0xC0  }
0xb1: {  	_ =	task [dreg:s7], $0x5FFFF  }
0xb2: {  	[dreg:$0x1] =	wrdreg $0xFFFFFFFF  }
0xb3: {  	[dreg:$0x0] =	wrdreg $0x60  }
0xb4: {  	[dreg:$0x2] =	wrdreg s16  }
0xb5: {  	[dreg:$0x3] =	wrdreg s24  }
0xb6: {  	[dreg:$0x4] =	wrdreg $0x9  }
0xb7: {  	_ =	task.clear_ibuf [dreg:s7], $0x5FFFF;
	_ =	strace $0x90000046  }
0xb8: {  	s29 =	simm.s32 $0x9;
	_ =	strace $0x80000048  }
0xb9: {  	_ =	swait.ge [sflag:s29], $0x1  }
0xba: {  	[sflag:s29] =	ssyncadd.s32 $0xFFFFFFFF  }
0xbb: {  	_ =	strace $0x90000048  }
0xbc: {  	_ =	sfence  }
0xbd: {  	s30 =	sld [smem:$0x0];
	_ =	sdelay $0x2  }
0xbe: {  	s31 =	sshll.u32 s1, $0xD;
	s1 =	sshrl.u32 s1, $0x2  }
0xbf: {  	s3 =	sand.u32 $0x4000, s31;
	s1 =	sadd.s32 s1, s30  }
0xc0: {  	s0 =	sor.u32 s3, s0;
	s1 =	sshll.u32 s1, $0x11  }
0xc1: {  	s0 =	sor.u32 s1, s0  }
0xc2: {  	s0 =	sadd.s32 $0x8F2B, s0  }
0xc3: {  	[sflag:s0] =	ssyncadd.remote.s32 $0x1  }
0xc4: {  	_ =	sfence.sel $0xFFFF  }
0xc5: {  	[dreg:$0x0] =	wrdreg $0xFFFFFFFF;
	(pc) =	sbr.abs _section_cstart, $3  }
0xc6: {  	[dreg:$0x1] =	wrdreg $0xFFFFFFFF  }
0xc7: {  	_ =	task.clear_ibuf [dreg:s7], $0x2FFFF;
	_ =	strace $0x9FFFFFFF  }
0xc8: {  	(tm) =	ssettm $0x7FFFFFFF  }
0xc9: {  	_ =	shalt  }
tec
execute0_lowered:
.L_overlay_start_1:
0x0: {  	(tag) =	ssettag $0x1  }
0x1: {  	s1 =	srdreg.scid  }
0x2: {  	s3 =	rddreg [dreg:$0x0];
	s0 =	simm.s32 $0x0;
	s1 =	sand.u32 $0x1, s1  }
0x3: {  	[smem:$0x7FF] =	sst s0;
	s0 =	stileid.u32;
	s6 =	ssub.s32 $0x2, s1  }
0x4: {  	s4 =	sshll.u32 s0, $0xA;
	s5 =	sshll.u32 s1, $0x9;
	s30 =	sshrl.u32 s6, $0x1  }
0x5: {  	s2 =	rddreg [dreg:$0x1];
	s4 =	sor.u32 s5, s4;
	s5 =	ssub.s32 s6, s30  }
0x6: {  	s1 =	rddreg [dreg:$0x2];
	s6 =	smax.u32 s5, $0x1  }
0x7: {  	_ =	strace $0x80000047;
	s31 =	sshll.u32 s0, $0x6;
	p0 =	sne.s32 s6, $0x1  }
.Ltmp0:
0x8: {  	s2 =	sadd.s32 s4, s2;
	s3 =	sadd.s32 s3, s4;
	(pc) =	sbr.rel @!p0 .LBB2_2-.Ltmp0, $4  }
0x9: {  	s4 =	sor.u32 $0x1C01, s31;
	s2 =	sadd.s32 $0xE00, s2;
	s5 =	simm.s32 $0x1  }
0xa: {  	[hbm:s2], [sflag:s4] =	dma.local [hbm:s3], $0x200  }
0xb: {  	_ =	swait.ge [sflag:s5], $0x200  }
0xc: {  	s6 =	sadd.s32 $0xFFFFFFFF, s6;
	[sflag:s5] =	ssyncset.done $0x0  }
.LBB2_1:
0xd: {  	p0 =	sne.s32 s6, $0x1;
	s6 =	sadd.s32 $0xFFFFFFFF, s6;
	[sflag:s5] =	ssyncadd.s32 $0xFFFFFE00  }
.Ltmp1:
0xe: {  	(pc) =	sbr.rel @p0 .LBB2_1-.Ltmp1, $4  }
0xf: {  	_ = 	snop  }
0x10: {  	[hbm:s2], [sflag:s4] =	dma.local [hbm:s3], $0x200  }
0x11: {  	_ =	swait.ge [sflag:s5], $0x200  }
0x12: {  	[sflag:s5] =	ssyncset.done $0x0  }
.LBB2_2:
0x13: {  	[sflag:s5] =	ssyncadd.s32 $0xFFFFFE00  }
0x14: {  	_ =	sfence.sel $0x180000  }
0x15: {  	[bflag:$0x0] =	sbarrier.arrive $0xFFFF  }
0x16: {  	p0 =	sne.s32 s0, $0x0;
	_ =	strace $0x90000047  }
0x17: {  	s0 =	sadd.s32 @!p0 $0x100000, s1;
	[bflag:$0x2] =	sbarrier.arrive $0xFFFF  }
0x18: {  	[sflag:s0] =	ssyncadd.tile.s32 @!p0 $0x1;
	_ =	shalt  }
.Lfunc_end2:
_tile_overlayer_lowered:
.L_overlay_start_2:
0x19: {  	(tag) =	ssettag $0x2  }
0x1a: {  	s0 =	rddreg [dreg:$0x0];
	s2 =	stileid.u32  }
0x1b: {  	s1 =	rddreg [dreg:$0x1];
	p0 =	sne.s32 s2, $0x0  }
0x1c: {  	s3 =	rddreg [dreg:$0x2];
	[bflag:$0x3] =	sbarrier.arrive $0xFFFF;
	s2 =	simm.s32 @!p0 $0x1C01  }
0x1d: {  	[timem:s3], [sflag:s2] =	dma.local @!p0 [hbm:s0], s1  }
0x1e: {  	s0 =	simm.s32 @!p0 $0x1  }
0x1f: {  	_ =	swait.ge @!p0 [sflag:s0], s1  }
0x20: {  	s1 =	ssub.s32 @!p0 $0x0, s1;
	[sflag:s0] =	ssyncset.done @!p0 $0x0  }
0x21: {  	[sflag:s0] =	ssyncadd.s32 @!p0 s1  }
0x22: {  	[bflag:$0x3] =	sbarrier.arrive $0xFFFF  }
0x23: {  	_ =	shalt  }

</sc_bundles>
